<compile_context>
chip_gen: v7x
topology: tpu7x:2x2x1
jax: 0.10.2.dev20260603
libtpu: 0.0.44.dev20260713+nightly
codegen_flags: <defaults>
</compile_context>

<pallas_src>
import functools
import jax
import jax.numpy as jnp
from jax import lax
from jax.experimental import pallas as pl
from jax.experimental.pallas import tpu as pltpu
from jax.experimental.pallas import tpu_sc as plsc

NEG_INF = float("-inf")


def _make_sc_gather(bs, h):
    mesh = plsc.VectorSubcoreMesh(core_axis_name="c", subcore_axis_name="s")
    info = plsc.get_sparse_core_info()

    @functools.partial(
        pl.kernel, mesh=mesh,
        out_type=jax.ShapeDtypeStruct((8, h), jnp.float32),
        scratch_types=[
            pltpu.VMEM((8,), jnp.int32),
            pltpu.VMEM((8, h), jnp.float32),
            pltpu.SemaphoreType.DMA,
        ],
    )
    def gather8(toks_hbm, x_hbm, out_hbm, idx_v, rows_v, sem):
        wid = lax.axis_index("s") * info.num_cores + lax.axis_index("c")

        @pl.when(wid == 0)
        def _():
            pltpu.sync_copy(toks_hbm, idx_v)
            pltpu.async_copy(x_hbm.at[idx_v], rows_v, sem).wait()
            pltpu.sync_copy(rows_v, out_hbm)

    return gather8


def _router_body(x_ref, rw0_ref, rw1_ref, rb0_ref, rb1_ref, y_ref,
                 sm0_ref, sm1_ref):
    y_ref[...] = jnp.zeros_like(y_ref)
    l0 = jnp.dot(x_ref[...], rw0_ref[...], preferred_element_type=jnp.float32) + rb0_ref[...]
    l1 = jnp.dot(x_ref[...], rw1_ref[...], preferred_element_type=jnp.float32) + rb1_ref[...]
    m = jnp.maximum(l0, l1)
    e0 = jnp.exp(l0 - m)
    e1 = jnp.exp(l1 - m)
    ssum = e0 + e1
    sm0_ref[...] = e0 / ssum
    sm1_ref[...] = e1 / ssum


def _top2(v, idx, big):
    v1 = jnp.max(v)
    i1 = jnp.min(jnp.where(v == v1, idx, big))
    vm = jnp.where(idx == i1, NEG_INF, v)
    v2 = jnp.max(vm)
    i2 = jnp.min(jnp.where(vm == v2, idx, big))
    return v1, i1, v2, i2


def _routing_body(sm0_ref, sm1_ref, tok_ref, gate_ref):
    sm0 = sm0_ref[...]
    sm1 = sm1_ref[...]
    n = sm0.shape[0]
    idx = jax.lax.broadcasted_iota(jnp.int32, (n, 8), 0)
    big = jnp.int32(n)
    v00, t00, v01, t01 = _top2(sm0, idx, big)
    v10, t10, v11, t11 = _top2(sm1, idx, big)
    li = jax.lax.broadcasted_iota(jnp.int32, (1, 8), 1)
    tok = jnp.where(li == 0, t00,
          jnp.where(li == 1, t01,
          jnp.where(li == 2, t10,
          jnp.where(li == 3, t11, 0))))
    gate = jnp.where(li == 0, v00,
           jnp.where(li == 1, v10,
           jnp.where(li == 2, v01,
           jnp.where(li == 3, v11, 0.0))))
    tok_ref[...] = tok
    gate_ref[...] = gate


def _ffn_update_body(toks_ref, y_in, xg_ref, w_ref, eb_ref, tok_ref, gate_ref,
                     y_ref, rows_ref, sem):
    del y_in
    c = pl.program_id(0)
    wb = w_ref.shape[0]
    eout = jax.lax.dot_general(
        xg_ref[...], w_ref[...], (((1,), (1,)), ((), ())),
        preferred_element_type=jnp.float32) + eb_ref[...]
    t0 = toks_ref[0]
    t1 = toks_ref[1]
    t2 = toks_ref[2]
    t3 = toks_ref[3]
    col = jax.lax.broadcasted_iota(jnp.int32, (4, 1), 0)
    tcol = jnp.where(col == 0, t0,
           jnp.where(col == 1, t1,
           jnp.where(col == 2, t2, t3)))
    a4 = jnp.where(tok_ref[...] == tcol, gate_ref[...], 0.0)
    rows_ref[...] = jnp.dot(a4, eout, preferred_element_type=jnp.float32)
    copies = []
    for s_i, t in enumerate((t0, t1, t2, t3)):
        cp = pltpu.make_async_copy(
            rows_ref.at[pl.ds(s_i, 1), :],
            y_ref.at[pl.ds(t, 1), pl.ds(c * wb, wb)], sem)
        cp.start()
        copies.append(cp)
    for cp in copies:
        cp.wait()


def kernel(x, router_w, router_b, expert_w, expert_b):
    b, s, h = x.shape
    e = router_w.shape[0]
    assert e == 2
    bs = b * s
    xf = x.reshape(bs, h)

    rw0 = jnp.broadcast_to(router_w[0][:, None], (h, 8))
    rw1 = jnp.broadcast_to(router_w[1][:, None], (h, 8))
    rb0 = jnp.full((1, 8), router_b[0], jnp.float32)
    rb1 = jnp.full((1, 8), router_b[1], jnp.float32)

    tb = 256
    n_t = bs // tb

    y0, sm0, sm1 = pl.pallas_call(
        _router_body,
        grid=(n_t,),
        in_specs=[
            pl.BlockSpec((tb, h), lambda i: (i, 0)),
            pl.BlockSpec((h, 8), lambda i: (0, 0)),
            pl.BlockSpec((h, 8), lambda i: (0, 0)),
            pl.BlockSpec((1, 8), lambda i: (0, 0)),
            pl.BlockSpec((1, 8), lambda i: (0, 0)),
        ],
        out_specs=[
            pl.BlockSpec((tb, h), lambda i: (i, 0)),
            pl.BlockSpec((tb, 8), lambda i: (i, 0)),
            pl.BlockSpec((tb, 8), lambda i: (i, 0)),
        ],
        out_shape=[
            jax.ShapeDtypeStruct((bs, h), jnp.float32),
            jax.ShapeDtypeStruct((bs, 8), jnp.float32),
            jax.ShapeDtypeStruct((bs, 8), jnp.float32),
        ],
    )(xf, rw0, rw1, rb0, rb1)

    tokens, gates = pl.pallas_call(
        _routing_body,
        in_specs=[
            pl.BlockSpec((bs, 8), lambda: (0, 0)),
            pl.BlockSpec((bs, 8), lambda: (0, 0)),
        ],
        out_specs=[
            pl.BlockSpec((1, 8), lambda: (0, 0)),
            pl.BlockSpec((1, 8), lambda: (0, 0)),
        ],
        out_shape=[
            jax.ShapeDtypeStruct((1, 8), jnp.int32),
            jax.ShapeDtypeStruct((1, 8), jnp.float32),
        ],
    )(sm0, sm1)

    xg = _make_sc_gather(bs, h)(tokens.reshape(8), xf)

    wb = 512
    n_w = h // wb
    eb = expert_b.reshape(1, h)
    toks8 = tokens.reshape(8)

    y = pl.pallas_call(
        _ffn_update_body,
        grid_spec=pltpu.PrefetchScalarGridSpec(
            num_scalar_prefetch=1,
            grid=(n_w,),
            in_specs=[
                pl.BlockSpec(memory_space=pl.ANY),
                pl.BlockSpec((8, h), lambda c, t: (0, 0)),
                pl.BlockSpec((wb, h), lambda c, t: (c, 0)),
                pl.BlockSpec((1, wb), lambda c, t: (0, c)),
                pl.BlockSpec((1, 8), lambda c, t: (0, 0)),
                pl.BlockSpec((1, 8), lambda c, t: (0, 0)),
            ],
            out_specs=pl.BlockSpec(memory_space=pl.ANY),
            scratch_shapes=[
                pltpu.VMEM((4, wb), jnp.float32),
                pltpu.SemaphoreType.DMA,
            ],
        ),
        out_shape=jax.ShapeDtypeStruct((bs, h), jnp.float32),
        input_output_aliases={1: 0},
    )(toks8, y0, xg, expert_w, eb, tokens, gates)

    return y.reshape(b, s, h)

# --- scband reference (transcript-rebuilt; emitter-appended) ---
"""Pipeline reference for scband-expert-choice-ffn-17643725652421 (READ-ONLY COPY).

The authoritative reference and input builder live on the scoring server;
editing this copy changes nothing except your own understanding.
"""

import jax, jax.numpy as jnp
import numpy as np

B, S, H, E = 2, 2048, 2048, 2

def setup_inputs(seed: int = 0) -> dict:
    key = jax.random.key(seed)
    k1, k2, k3, k4 = jax.random.split(key, 4)
    x = jax.random.normal(k1, (B, S, H), dtype=jnp.float32)
    router_w = jax.random.normal(k2, (E, H), dtype=jnp.float32) * 0.02
    router_b = jnp.zeros((E,), dtype=jnp.float32)
    # NOTE: the torch module builds nn.ModuleList([expert for _ in range(num_experts)])
    # from a SINGLE expert instance, so all experts SHARE one set of weights.
    expert_w = jax.random.normal(k3, (H, H), dtype=jnp.float32) * 0.02
    expert_b = jnp.zeros((H,), dtype=jnp.float32)
    return {"x": x, "router_w": router_w, "router_b": router_b, "expert_w": expert_w, "expert_b": expert_b}

def reference(x, router_w, router_b, expert_w, expert_b):
    b, s, hsz = x.shape
    num_experts = router_w.shape[0]
    xf = x.reshape(-1, hsz)                      # (bs, h)
    bs = xf.shape[0]
    logits = xf @ router_w.T + router_b          # (bs, E)
    Sm = jax.nn.softmax(logits, axis=-1)         # (bs, E)
    # torch.topk(S, k=2, dim=0): top-2 over the token dim, per expert
    G_t, idx_t = jax.lax.top_k(Sm.T, 2)          # (E, 2)
    G = G_t.T                                    # (2, E)
    idx = idx_t.T                                # (2, E)
    P = jax.nn.one_hot(idx, bs, dtype=xf.dtype)  # (k=2, E, bs)
    P = jnp.transpose(P, (2, 0, 1))              # (bs, k, E)
    y = jnp.zeros_like(xf)
    for e in range(num_experts):
        P_e = P[..., e]                          # (bs, k)
        G_e = G[e, :]                            # (E,) == (k,) since E == k == 2
        tokens = jnp.einsum('bk,bh->kh', P_e, xf)         # (k, h)
        Eout = tokens @ expert_w.T + expert_b             # shared expert (k, h)
        y = y + jnp.einsum('bk,k,kh->bh', P_e, G_e, Eout)  # (bs, h)
    return y.reshape(b, s, hsz)

if __name__ == "__main__":
    import jax
    _d = setup_inputs()
    print(jax.jit(kernel)(*tuple(_d.values())))

</pallas_src>

<mosaic_0001>
#map = affine_map<(d0, d1) -> (0)>
#map1 = affine_map<(d0, d1) -> (0, 0)>
module attributes {stable_mosaic.version = 14 : i64} {
  func.func @gather8(%arg0: i32, %arg1: i32, %arg2: memref<8xi32, #tpu.memory_space<hbm>>, %arg3: memref<4096x2048xf32, #tpu.memory_space<hbm>>, %arg4: memref<8x2048xf32, #tpu.memory_space<hbm>>, %arg5: memref<8xi32, #tpu.memory_space<vmem>>, %arg6: memref<8x2048xf32, #tpu.memory_space<vmem>>, %arg7: memref<!tpu.dma_semaphore, #tpu.memory_space<semaphore_mem>>) attributes {dimension_semantics = [#tpu.dimension_semantics<core_parallel>, #tpu.dimension_semantics<subcore_parallel>], iteration_bounds = array<i64: 2, 16>, scalar_prefetch = 0 : i64, scratch_operands = 3 : i64, tpu.core_type = #tpu.core_type<sc_vector_subcore>, window_params = [{transform_indices = #map}, {transform_indices = #map1}, {transform_indices = #map1}]} {
    %mul3A = arith.constant 2 : i32
    %mul3A_0 = arith.muli %arg1, %mul3A : i32
    %add3A = arith.addi %mul3A_0, %arg0 : i32
    %eq3A = arith.constant 0 : i32
    %eq3A_1 = arith.cmpi eq, %add3A, %eq3A : i32
    %convert_element_type3A = arith.extui %eq3A_1 : i1 to i32
    %cond3A = arith.constant 0 : i32
    %cond3A_2 = arith.cmpi ne, %convert_element_type3A, %cond3A : i32
    scf.if %cond3A_2 {
      "tpu.region"() ({
        %run_scoped3A = tpu.sem_alloc : memref<!tpu.dma_semaphore, #tpu.memory_space<semaphore_mem>>
        tpu.enqueue_dma source(%arg2 : memref<8xi32, #tpu.memory_space<hbm>>) target(%arg5 : memref<8xi32, #tpu.memory_space<vmem>>) target_semaphore(%run_scoped3A : memref<!tpu.dma_semaphore, #tpu.memory_space<semaphore_mem>>)
        tpu.wait_dma2 semaphore(%run_scoped3A : memref<!tpu.dma_semaphore, #tpu.memory_space<semaphore_mem>>) src(%arg2 : memref<8xi32, #tpu.memory_space<hbm>>) dst(%arg5 : memref<8xi32, #tpu.memory_space<vmem>>)
        tpu.yield
      }) : () -> ()
      %dma_start3A = arith.constant 0 : i32
      %dma_start3A_3 = arith.constant 0 : i32
      %dma_start3A_4 = tpu.memref_slice %arg3[%dma_start3A, %dma_start3A_3] : memref<4096x2048xf32, #tpu.memory_space<hbm>> -> memref<4096x2048xf32, #tpu.memory_space<hbm>>
      tpu.enqueue_indirect_dma source(%dma_start3A_4 : memref<4096x2048xf32, #tpu.memory_space<hbm>>) target(%arg6 : memref<8x2048xf32, #tpu.memory_space<vmem>>) offsets(%arg5 : memref<8xi32, #tpu.memory_space<vmem>>) semaphore(%arg7 : memref<!tpu.dma_semaphore, #tpu.memory_space<semaphore_mem>>)
      %dma_wait3A = arith.constant 0 : i32
      %dma_wait3A_5 = arith.constant 0 : i32
      %dma_wait3A_6 = tpu.memref_slice %arg3[%dma_wait3A, %dma_wait3A_5] : memref<4096x2048xf32, #tpu.memory_space<hbm>> -> memref<4096x2048xf32, #tpu.memory_space<hbm>>
      tpu.wait_indirect_dma semaphore(%arg7 : memref<!tpu.dma_semaphore, #tpu.memory_space<semaphore_mem>>) src(%dma_wait3A_6 : memref<4096x2048xf32, #tpu.memory_space<hbm>>) dst(%arg6 : memref<8x2048xf32, #tpu.memory_space<vmem>>)
      "tpu.region"() ({
        %run_scoped3A = tpu.sem_alloc : memref<!tpu.dma_semaphore, #tpu.memory_space<semaphore_mem>>
        tpu.enqueue_dma source(%arg6 : memref<8x2048xf32, #tpu.memory_space<vmem>>) target(%arg4 : memref<8x2048xf32, #tpu.memory_space<hbm>>) target_semaphore(%run_scoped3A : memref<!tpu.dma_semaphore, #tpu.memory_space<semaphore_mem>>)
        tpu.wait_dma2 semaphore(%run_scoped3A : memref<!tpu.dma_semaphore, #tpu.memory_space<semaphore_mem>>) src(%arg6 : memref<8x2048xf32, #tpu.memory_space<vmem>>) dst(%arg4 : memref<8x2048xf32, #tpu.memory_space<hbm>>)
        tpu.yield
      }) : () -> ()
    } else {
    }
    return
  }
}

module attributes {stable_mosaic.version = 14 : i64} {
  func.func @_routing_body(%arg0: memref<4096x8xf32, #tpu.memory_space<vmem>>, %arg1: memref<4096x8xf32, #tpu.memory_space<vmem>>, %arg2: memref<1x8xi32, #tpu.memory_space<vmem>>, %arg3: memref<1x8xf32, #tpu.memory_space<vmem>>) attributes {dimension_semantics = [], scalar_prefetch = 0 : i64, scratch_operands = 0 : i64, tpu.core_type = #tpu.core_type<tc>} {
    %get3A = arith.constant 0 : index
    %get3A_0 = arith.constant 0 : index
    %get3A_1 = vector.load %arg0[%get3A, %get3A_0] : memref<4096x8xf32, #tpu.memory_space<vmem>>, vector<4096x8xf32>
    %get3A_2 = arith.constant 0 : index
    %get3A_3 = arith.constant 0 : index
    %get3A_4 = vector.load %arg1[%get3A_2, %get3A_3] : memref<4096x8xf32, #tpu.memory_space<vmem>>, vector<4096x8xf32>
    %iota3A = tpu.iota {dimensions = array<i32: 0>} : vector<4096x8xi32>
    %reduce_max3A = vector.shape_cast %get3A_1 : vector<4096x8xf32> to vector<1x4096x8xf32>
    %reduce_max3A_5 = arith.constant dense<0xFF800000> : vector<1xf32>
    %reduce_max3A_6 = vector.multi_reduction <maximumf>, %reduce_max3A, %reduce_max3A_5 [1, 2] : vector<1x4096x8xf32> to vector<1xf32>
    %reduce_max3A_7 = vector.shape_cast %reduce_max3A_6 : vector<1xf32> to vector<1x1x1xf32>
    %reduce_max3A_8 = vector.extract %reduce_max3A_7[0, 0, 0] : f32 from vector<1x1x1xf32>
    %eq3A = vector.broadcast %reduce_max3A_8 : f32 to vector<4096x8xf32>
    %eq3A_9 = arith.cmpf oeq, %get3A_1, %eq3A : vector<4096x8xf32>
    %jit3A = arith.constant 4096 : i32
    %broadcast_in_dim3A = vector.broadcast %jit3A : i32 to vector<4096x8xi32>
    %select_n3A = arith.select %eq3A_9, %iota3A, %broadcast_in_dim3A : vector<4096x8xi1>, vector<4096x8xi32>
    %reduce_min3A = vector.shape_cast %select_n3A : vector<4096x8xi32> to vector<1x4096x8xi32>
    %reduce_min3A_10 = arith.constant dense<2147483647> : vector<1xi32>
    %reduce_min3A_11 = vector.multi_reduction <minsi>, %reduce_min3A, %reduce_min3A_10 [1, 2] : vector<1x4096x8xi32> to vector<1xi32>
    %reduce_min3A_12 = vector.shape_cast %reduce_min3A_11 : vector<1xi32> to vector<1x1x1xi32>
    %reduce_min3A_13 = vector.extract %reduce_min3A_12[0, 0, 0] : i32 from vector<1x1x1xi32>
    %eq3A_14 = vector.broadcast %reduce_min3A_13 : i32 to vector<4096x8xi32>
    %eq3A_15 = arith.cmpi eq, %iota3A, %eq3A_14 : vector<4096x8xi32>
    %jit3A_16 = arith.constant 0xFF800000 : f32
    %broadcast_in_dim3A_17 = vector.broadcast %jit3A_16 : f32 to vector<4096x8xf32>
    %select_n3A_18 = arith.select %eq3A_15, %broadcast_in_dim3A_17, %get3A_1 : vector<4096x8xi1>, vector<4096x8xf32>
    %reduce_max3A_19 = vector.shape_cast %select_n3A_18 : vector<4096x8xf32> to vector<1x4096x8xf32>
    %reduce_max3A_20 = arith.constant dense<0xFF800000> : vector<1xf32>
    %reduce_max3A_21 = vector.multi_reduction <maximumf>, %reduce_max3A_19, %reduce_max3A_20 [1, 2] : vector<1x4096x8xf32> to vector<1xf32>
    %reduce_max3A_22 = vector.shape_cast %reduce_max3A_21 : vector<1xf32> to vector<1x1x1xf32>
    %reduce_max3A_23 = vector.extract %reduce_max3A_22[0, 0, 0] : f32 from vector<1x1x1xf32>
    %eq3A_24 = vector.broadcast %reduce_max3A_23 : f32 to vector<4096x8xf32>
    %eq3A_25 = arith.cmpf oeq, %select_n3A_18, %eq3A_24 : vector<4096x8xf32>
    %jit3A_26 = arith.constant 4096 : i32
    %broadcast_in_dim3A_27 = vector.broadcast %jit3A_26 : i32 to vector<4096x8xi32>
    %select_n3A_28 = arith.select %eq3A_25, %iota3A, %broadcast_in_dim3A_27 : vector<4096x8xi1>, vector<4096x8xi32>
    %reduce_min3A_29 = vector.shape_cast %select_n3A_28 : vector<4096x8xi32> to vector<1x4096x8xi32>
    %reduce_min3A_30 = arith.constant dense<2147483647> : vector<1xi32>
    %reduce_min3A_31 = vector.multi_reduction <minsi>, %reduce_min3A_29, %reduce_min3A_30 [1, 2] : vector<1x4096x8xi32> to vector<1xi32>
    %reduce_min3A_32 = vector.shape_cast %reduce_min3A_31 : vector<1xi32> to vector<1x1x1xi32>
    %reduce_min3A_33 = vector.extract %reduce_min3A_32[0, 0, 0] : i32 from vector<1x1x1xi32>
    %reduce_max3A_34 = vector.shape_cast %get3A_4 : vector<4096x8xf32> to vector<1x4096x8xf32>
    %reduce_max3A_35 = arith.constant dense<0xFF800000> : vector<1xf32>
    %reduce_max3A_36 = vector.multi_reduction <maximumf>, %reduce_max3A_34, %reduce_max3A_35 [1, 2] : vector<1x4096x8xf32> to vector<1xf32>
    %reduce_max3A_37 = vector.shape_cast %reduce_max3A_36 : vector<1xf32> to vector<1x1x1xf32>
    %reduce_max3A_38 = vector.extract %reduce_max3A_37[0, 0, 0] : f32 from vector<1x1x1xf32>
    %eq3A_39 = vector.broadcast %reduce_max3A_38 : f32 to vector<4096x8xf32>
    %eq3A_40 = arith.cmpf oeq, %get3A_4, %eq3A_39 : vector<4096x8xf32>
    %jit3A_41 = arith.constant 4096 : i32
    %broadcast_in_dim3A_42 = vector.broadcast %jit3A_41 : i32 to vector<4096x8xi32>
    %select_n3A_43 = arith.select %eq3A_40, %iota3A, %broadcast_in_dim3A_42 : vector<4096x8xi1>, vector<4096x8xi32>
    %reduce_min3A_44 = vector.shape_cast %select_n3A_43 : vector<4096x8xi32> to vector<1x4096x8xi32>
    %reduce_min3A_45 = arith.constant dense<2147483647> : vector<1xi32>
    %reduce_min3A_46 = vector.multi_reduction <minsi>, %reduce_min3A_44, %reduce_min3A_45 [1, 2] : vector<1x4096x8xi32> to vector<1xi32>
    %reduce_min3A_47 = vector.shape_cast %reduce_min3A_46 : vector<1xi32> to vector<1x1x1xi32>
    %reduce_min3A_48 = vector.extract %reduce_min3A_47[0, 0, 0] : i32 from vector<1x1x1xi32>
    %eq3A_49 = vector.broadcast %reduce_min3A_48 : i32 to vector<4096x8xi32>
    %eq3A_50 = arith.cmpi eq, %iota3A, %eq3A_49 : vector<4096x8xi32>
    %jit3A_51 = arith.constant 0xFF800000 : f32
    %broadcast_in_dim3A_52 = vector.broadcast %jit3A_51 : f32 to vector<4096x8xf32>
    %select_n3A_53 = arith.select %eq3A_50, %broadcast_in_dim3A_52, %get3A_4 : vector<4096x8xi1>, vector<4096x8xf32>
    %reduce_max3A_54 = vector.shape_cast %select_n3A_53 : vector<4096x8xf32> to vector<1x4096x8xf32>
    %reduce_max3A_55 = arith.constant dense<0xFF800000> : vector<1xf32>
    %reduce_max3A_56 = vector.multi_reduction <maximumf>, %reduce_max3A_54, %reduce_max3A_55 [1, 2] : vector<1x4096x8xf32> to vector<1xf32>
    %reduce_max3A_57 = vector.shape_cast %reduce_max3A_56 : vector<1xf32> to vector<1x1x1xf32>
    %reduce_max3A_58 = vector.extract %reduce_max3A_57[0, 0, 0] : f32 from vector<1x1x1xf32>
    %eq3A_59 = vector.broadcast %reduce_max3A_58 : f32 to vector<4096x8xf32>
    %eq3A_60 = arith.cmpf oeq, %select_n3A_53, %eq3A_59 : vector<4096x8xf32>
    %jit3A_61 = arith.constant 4096 : i32
    %broadcast_in_dim3A_62 = vector.broadcast %jit3A_61 : i32 to vector<4096x8xi32>
    %select_n3A_63 = arith.select %eq3A_60, %iota3A, %broadcast_in_dim3A_62 : vector<4096x8xi1>, vector<4096x8xi32>
    %reduce_min3A_64 = vector.shape_cast %select_n3A_63 : vector<4096x8xi32> to vector<1x4096x8xi32>
    %reduce_min3A_65 = arith.constant dense<2147483647> : vector<1xi32>
    %reduce_min3A_66 = vector.multi_reduction <minsi>, %reduce_min3A_64, %reduce_min3A_65 [1, 2] : vector<1x4096x8xi32> to vector<1xi32>
    %reduce_min3A_67 = vector.shape_cast %reduce_min3A_66 : vector<1xi32> to vector<1x1x1xi32>
    %reduce_min3A_68 = vector.extract %reduce_min3A_67[0, 0, 0] : i32 from vector<1x1x1xi32>
    %iota3A_69 = tpu.iota {dimensions = array<i32: 1>} : vector<1x8xi32>
    %eq3A_70 = arith.constant 0 : i32
    %eq3A_71 = vector.broadcast %eq3A_70 : i32 to vector<1x8xi32>
    %eq3A_72 = arith.cmpi eq, %iota3A_69, %eq3A_71 : vector<1x8xi32>
    %eq3A_73 = arith.constant 1 : i32
    %eq3A_74 = vector.broadcast %eq3A_73 : i32 to vector<1x8xi32>
    %eq3A_75 = arith.cmpi eq, %iota3A_69, %eq3A_74 : vector<1x8xi32>
    %eq3A_76 = arith.constant 2 : i32
    %eq3A_77 = vector.broadcast %eq3A_76 : i32 to vector<1x8xi32>
    %eq3A_78 = arith.cmpi eq, %iota3A_69, %eq3A_77 : vector<1x8xi32>
    %eq3A_79 = arith.constant 3 : i32
    %eq3A_80 = vector.broadcast %eq3A_79 : i32 to vector<1x8xi32>
    %eq3A_81 = arith.cmpi eq, %iota3A_69, %eq3A_80 : vector<1x8xi32>
    %jit3A_82 = arith.constant 0 : i32
    %broadcast_in_dim3A_83 = vector.broadcast %reduce_min3A_68 : i32 to vector<1x8xi32>
    %broadcast_in_dim3A_84 = vector.broadcast %jit3A_82 : i32 to vector<1x8xi32>
    %select_n3A_85 = arith.select %eq3A_81, %broadcast_in_dim3A_83, %broadcast_in_dim3A_84 : vector<1x8xi1>, vector<1x8xi32>
    %broadcast_in_dim3A_86 = vector.broadcast %reduce_min3A_48 : i32 to vector<1x8xi32>
    %select_n3A_87 = arith.select %eq3A_78, %broadcast_in_dim3A_86, %select_n3A_85 : vector<1x8xi1>, vector<1x8xi32>
    %broadcast_in_dim3A_88 = vector.broadcast %reduce_min3A_33 : i32 to vector<1x8xi32>
    %select_n3A_89 = arith.select %eq3A_75, %broadcast_in_dim3A_88, %select_n3A_87 : vector<1x8xi1>, vector<1x8xi32>
    %broadcast_in_dim3A_90 = vector.broadcast %reduce_min3A_13 : i32 to vector<1x8xi32>
    %select_n3A_91 = arith.select %eq3A_72, %broadcast_in_dim3A_90, %select_n3A_89 : vector<1x8xi1>, vector<1x8xi32>
    %eq3A_92 = arith.constant 0 : i32
    %eq3A_93 = vector.broadcast %eq3A_92 : i32 to vector<1x8xi32>
    %eq3A_94 = arith.cmpi eq, %iota3A_69, %eq3A_93 : vector<1x8xi32>
    %eq3A_95 = arith.constant 1 : i32
    %eq3A_96 = vector.broadcast %eq3A_95 : i32 to vector<1x8xi32>
    %eq3A_97 = arith.cmpi eq, %iota3A_69, %eq3A_96 : vector<1x8xi32>
    %eq3A_98 = arith.constant 2 : i32
    %eq3A_99 = vector.broadcast %eq3A_98 : i32 to vector<1x8xi32>
    %eq3A_100 = arith.cmpi eq, %iota3A_69, %eq3A_99 : vector<1x8xi32>
    %eq3A_101 = arith.constant 3 : i32
    %eq3A_102 = vector.broadcast %eq3A_101 : i32 to vector<1x8xi32>
    %eq3A_103 = arith.cmpi eq, %iota3A_69, %eq3A_102 : vector<1x8xi32>
    %jit3A_104 = arith.constant 0.000000e+00 : f32
    %broadcast_in_dim3A_105 = vector.broadcast %reduce_max3A_58 : f32 to vector<1x8xf32>
    %broadcast_in_dim3A_106 = vector.broadcast %jit3A_104 : f32 to vector<1x8xf32>
    %select_n3A_107 = arith.select %eq3A_103, %broadcast_in_dim3A_105, %broadcast_in_dim3A_106 : vector<1x8xi1>, vector<1x8xf32>
    %broadcast_in_dim3A_108 = vector.broadcast %reduce_max3A_23 : f32 to vector<1x8xf32>
    %select_n3A_109 = arith.select %eq3A_100, %broadcast_in_dim3A_108, %select_n3A_107 : vector<1x8xi1>, vector<1x8xf32>
    %broadcast_in_dim3A_110 = vector.broadcast %reduce_max3A_38 : f32 to vector<1x8xf32>
    %select_n3A_111 = arith.select %eq3A_97, %broadcast_in_dim3A_110, %select_n3A_109 : vector<1x8xi1>, vector<1x8xf32>
    %broadcast_in_dim3A_112 = vector.broadcast %reduce_max3A_8 : f32 to vector<1x8xf32>
    %select_n3A_113 = arith.select %eq3A_94, %broadcast_in_dim3A_112, %select_n3A_111 : vector<1x8xi1>, vector<1x8xf32>
    %swap3A = arith.constant 0 : index
    %swap3A_114 = arith.constant 0 : index
    %swap3A_115 = vector.load %arg2[%swap3A, %swap3A_114] : memref<1x8xi32, #tpu.memory_space<vmem>>, vector<1x8xi32>
    tpu.vector_store %arg2[%swap3A, %swap3A_114], %select_n3A_91 {strides = array<i32>} : memref<1x8xi32, #tpu.memory_space<vmem>>, vector<1x8xi32>,
    %swap3A_116 = arith.constant 0 : index
    %swap3A_117 = arith.constant 0 : index
    %swap3A_118 = vector.load %arg3[%swap3A_116, %swap3A_117] : memref<1x8xf32, #tpu.memory_space<vmem>>, vector<1x8xf32>
    tpu.vector_store %arg3[%swap3A_116, %swap3A_117], %select_n3A_113 {strides = array<i32>} : memref<1x8xf32, #tpu.memory_space<vmem>>, vector<1x8xf32>,
    return
  }
}

module attributes {stable_mosaic.version = 14 : i64} {
  func.func @_ffn_update_body(%arg0: i32, %arg1: memref<8xi32, #tpu.memory_space<smem>>, %arg2: memref<4096x2048xf32, #tpu.memory_space<any>>, %arg3: memref<8x2048xf32, #tpu.memory_space<vmem>>, %arg4: memref<512x2048xf32, #tpu.memory_space<vmem>>, %arg5: memref<1x512xf32, #tpu.memory_space<vmem>>, %arg6: memref<1x8xi32, #tpu.memory_space<vmem>>, %arg7: memref<1x8xf32, #tpu.memory_space<vmem>>, %arg8: memref<4096x2048xf32, #tpu.memory_space<any>>, %arg9: memref<4x512xf32, #tpu.memory_space<vmem>>, %arg10: memref<!tpu.dma_semaphore, #tpu.memory_space<semaphore_mem>>) attributes {dimension_semantics = [#tpu.dimension_semantics<arbitrary>], iteration_bounds = array<i64: 4>, scalar_prefetch = 1 : i64, scratch_operands = 2 : i64, tpu.core_type = #tpu.core_type<tc>, window_params = [{}, {pipeline_mode = #tpu.pipeline_mode<synchronous>, transform_indices = @transform_1, window_bounds = array<i64: 8, 2048>}, {transform_indices = @transform_2, window_bounds = array<i64: 512, 2048>}, {transform_indices = @transform_3, window_bounds = array<i64: 1, 512>}, {pipeline_mode = #tpu.pipeline_mode<synchronous>, transform_indices = @transform_4, window_bounds = array<i64: 1, 8>}, {pipeline_mode = #tpu.pipeline_mode<synchronous>, transform_indices = @transform_5, window_bounds = array<i64: 1, 8>}, {}]} {
    %get3A = arith.constant 0 : index
    %get3A_0 = arith.constant 0 : index
    %get3A_1 = vector.load %arg3[%get3A, %get3A_0] : memref<8x2048xf32, #tpu.memory_space<vmem>>, vector<8x2048xf32>
    %get3A_2 = arith.constant 0 : index
    %get3A_3 = arith.constant 0 : index
    %get3A_4 = vector.load %arg4[%get3A_2, %get3A_3] : memref<512x2048xf32, #tpu.memory_space<vmem>>, vector<512x2048xf32>
    %dot_general3A = arith.constant dense<0.000000e+00> : vector<8x512xf32>
    %dot_general3A_5 = tpu.matmul %get3A_1, %get3A_4, %dot_general3A {dimension_numbers = #tpu.dot_dimension_numbers<[1], [1], [0], [0], [0, 0, 1, 0], [], []>, transpose_lhs_hint = false} : vector<8x2048xf32>, vector<512x2048xf32>, vector<8x512xf32> -> vector<8x512xf32>
    %get3A_6 = arith.constant 0 : index
    %get3A_7 = arith.constant 0 : index
    %get3A_8 = vector.load %arg5[%get3A_6, %get3A_7] : memref<1x512xf32, #tpu.memory_space<vmem>>, vector<1x512xf32>
    %add3A = vector.broadcast %get3A_8 : vector<1x512xf32> to vector<8x512xf32>
    %add3A_9 = arith.addf %dot_general3A_5, %add3A : vector<8x512xf32>
    %get3A_10 = arith.constant 0 : index
    %get3A_11 = memref.load %arg1[%get3A_10] : memref<8xi32, #tpu.memory_space<smem>>
    %get3A_12 = arith.constant 1 : index
    %get3A_13 = memref.load %arg1[%get3A_12] : memref<8xi32, #tpu.memory_space<smem>>
    %get3A_14 = arith.constant 2 : index
    %get3A_15 = memref.load %arg1[%get3A_14] : memref<8xi32, #tpu.memory_space<smem>>
    %get3A_16 = arith.constant 3 : index
    %get3A_17 = memref.load %arg1[%get3A_16] : memref<8xi32, #tpu.memory_space<smem>>
    %iota3A = tpu.iota {dimensions = array<i32: 0>} : vector<4x1xi32>
    %eq3A = arith.constant 0 : i32
    %eq3A_18 = vector.broadcast %eq3A : i32 to vector<4x1xi32>
    %eq3A_19 = arith.cmpi eq, %iota3A, %eq3A_18 : vector<4x1xi32>
    %eq3A_20 = arith.constant 1 : i32
    %eq3A_21 = vector.broadcast %eq3A_20 : i32 to vector<4x1xi32>
    %eq3A_22 = arith.cmpi eq, %iota3A, %eq3A_21 : vector<4x1xi32>
    %eq3A_23 = arith.constant 2 : i32
    %eq3A_24 = vector.broadcast %eq3A_23 : i32 to vector<4x1xi32>
    %eq3A_25 = arith.cmpi eq, %iota3A, %eq3A_24 : vector<4x1xi32>
    %broadcast_in_dim3A = vector.broadcast %get3A_15 : i32 to vector<4x1xi32>
    %broadcast_in_dim3A_26 = vector.broadcast %get3A_17 : i32 to vector<4x1xi32>
    %select_n3A = arith.select %eq3A_25, %broadcast_in_dim3A, %broadcast_in_dim3A_26 : vector<4x1xi1>, vector<4x1xi32>
    %broadcast_in_dim3A_27 = vector.broadcast %get3A_13 : i32 to vector<4x1xi32>
    %select_n3A_28 = arith.select %eq3A_22, %broadcast_in_dim3A_27, %select_n3A : vector<4x1xi1>, vector<4x1xi32>
    %broadcast_in_dim3A_29 = vector.broadcast %get3A_11 : i32 to vector<4x1xi32>
    %select_n3A_30 = arith.select %eq3A_19, %broadcast_in_dim3A_29, %select_n3A_28 : vector<4x1xi1>, vector<4x1xi32>
    %get3A_31 = arith.constant 0 : index
    %get3A_32 = arith.constant 0 : index
    %get3A_33 = vector.load %arg6[%get3A_31, %get3A_32] : memref<1x8xi32, #tpu.memory_space<vmem>>, vector<1x8xi32>
    %eq3A_34 = vector.broadcast %get3A_33 : vector<1x8xi32> to vector<4x8xi32>
    %eq3A_35 = vector.broadcast %select_n3A_30 : vector<4x1xi32> to vector<4x8xi32>
    %eq3A_36 = arith.cmpi eq, %eq3A_34, %eq3A_35 : vector<4x8xi32>
    %get3A_37 = arith.constant 0 : index
    %get3A_38 = arith.constant 0 : index
    %get3A_39 = vector.load %arg7[%get3A_37, %get3A_38] : memref<1x8xf32, #tpu.memory_space<vmem>>, vector<1x8xf32>
    %jit3A = arith.constant 0.000000e+00 : f32
    %broadcast_in_dim3A_40 = vector.shape_cast %get3A_39 : vector<1x8xf32> to vector<1x8xf32>
    %broadcast_in_dim3A_41 = vector.broadcast %broadcast_in_dim3A_40 : vector<1x8xf32> to vector<4x8xf32>
    %broadcast_in_dim3A_42 = vector.broadcast %jit3A : f32 to vector<4x8xf32>
    %select_n3A_43 = arith.select %eq3A_36, %broadcast_in_dim3A_41, %broadcast_in_dim3A_42 : vector<4x8xi1>, vector<4x8xf32>
    %dot_general3A_44 = arith.constant dense<0.000000e+00> : vector<4x512xf32>
    %dot_general3A_45 = tpu.matmul %select_n3A_43, %add3A_9, %dot_general3A_44 {dimension_numbers = #tpu.dot_dimension_numbers<[1], [0], [0], [1], [0, 0, 1, 1], [], []>, transpose_lhs_hint = false} : vector<4x8xf32>, vector<8x512xf32>, vector<4x512xf32> -> vector<4x512xf32>
    %swap3A = arith.constant 0 : index
    %swap3A_46 = arith.constant 0 : index
    %swap3A_47 = vector.load %arg9[%swap3A, %swap3A_46] : memref<4x512xf32, #tpu.memory_space<vmem>>, vector<4x512xf32>
    tpu.vector_store %arg9[%swap3A, %swap3A_46], %dot_general3A_45 {strides = array<i32>} : memref<4x512xf32, #tpu.memory_space<vmem>>, vector<4x512xf32>,
    %mul3A = arith.constant 512 : i32
    %mul3A_48 = arith.muli %arg0, %mul3A : i32
    %dma_start3A = tpu.memref_slice %arg8[%get3A_11, %mul3A_48] : memref<4096x2048xf32, #tpu.memory_space<any>> -> memref<1x512xf32, #tpu.memory_space<any>>
    %dma_start3A_49 = arith.constant 0 : i32
    %dma_start3A_50 = arith.constant 0 : i32
    %dma_start3A_51 = tpu.memref_slice %arg9[%dma_start3A_49, %dma_start3A_50] : memref<4x512xf32, #tpu.memory_space<vmem>> -> memref<1x512xf32, #tpu.memory_space<vmem>>
    tpu.enqueue_dma source(%dma_start3A_51 : memref<1x512xf32, #tpu.memory_space<vmem>>) target(%dma_start3A : memref<1x512xf32, #tpu.memory_space<any>>) target_semaphore(%arg10 : memref<!tpu.dma_semaphore, #tpu.memory_space<semaphore_mem>>)
    %mul3A_52 = arith.constant 512 : i32
    %mul3A_53 = arith.muli %arg0, %mul3A_52 : i32
    %dma_start3A_54 = tpu.memref_slice %arg8[%get3A_13, %mul3A_53] : memref<4096x2048xf32, #tpu.memory_space<any>> -> memref<1x512xf32, #tpu.memory_space<any>>
    %dma_start3A_55 = arith.constant 1 : i32
    %dma_start3A_56 = arith.constant 0 : i32
    %dma_start3A_57 = tpu.memref_slice %arg9[%dma_start3A_55, %dma_start3A_56] : memref<4x512xf32, #tpu.memory_space<vmem>> -> memref<1x512xf32, #tpu.memory_space<vmem>>
    tpu.enqueue_dma source(%dma_start3A_57 : memref<1x512xf32, #tpu.memory_space<vmem>>) target(%dma_start3A_54 : memref<1x512xf32, #tpu.memory_space<any>>) target_semaphore(%arg10 : memref<!tpu.dma_semaphore, #tpu.memory_space<semaphore_mem>>)
    %mul3A_58 = arith.constant 512 : i32
    %mul3A_59 = arith.muli %arg0, %mul3A_58 : i32
    %dma_start3A_60 = tpu.memref_slice %arg8[%get3A_15, %mul3A_59] : memref<4096x2048xf32, #tpu.memory_space<any>> -> memref<1x512xf32, #tpu.memory_space<any>>
    %dma_start3A_61 = arith.constant 2 : i32
    %dma_start3A_62 = arith.constant 0 : i32
    %dma_start3A_63 = tpu.memref_slice %arg9[%dma_start3A_61, %dma_start3A_62] : memref<4x512xf32, #tpu.memory_space<vmem>> -> memref<1x512xf32, #tpu.memory_space<vmem>>
    tpu.enqueue_dma source(%dma_start3A_63 : memref<1x512xf32, #tpu.memory_space<vmem>>) target(%dma_start3A_60 : memref<1x512xf32, #tpu.memory_space<any>>) target_semaphore(%arg10 : memref<!tpu.dma_semaphore, #tpu.memory_space<semaphore_mem>>)
    %mul3A_64 = arith.constant 512 : i32
    %mul3A_65 = arith.muli %arg0, %mul3A_64 : i32
    %dma_start3A_66 = tpu.memref_slice %arg8[%get3A_17, %mul3A_65] : memref<4096x2048xf32, #tpu.memory_space<any>> -> memref<1x512xf32, #tpu.memory_space<any>>
    %dma_start3A_67 = arith.constant 3 : i32
    %dma_start3A_68 = arith.constant 0 : i32
    %dma_start3A_69 = tpu.memref_slice %arg9[%dma_start3A_67, %dma_start3A_68] : memref<4x512xf32, #tpu.memory_space<vmem>> -> memref<1x512xf32, #tpu.memory_space<vmem>>
    tpu.enqueue_dma source(%dma_start3A_69 : memref<1x512xf32, #tpu.memory_space<vmem>>) target(%dma_start3A_66 : memref<1x512xf32, #tpu.memory_space<any>>) target_semaphore(%arg10 : memref<!tpu.dma_semaphore, #tpu.memory_space<semaphore_mem>>)
    %dma_wait3A = tpu.memref_slice %arg8[%get3A_11, %mul3A_48] : memref<4096x2048xf32, #tpu.memory_space<any>> -> memref<1x512xf32, #tpu.memory_space<any>>
    %dma_wait3A_70 = arith.constant 0 : i32
    %dma_wait3A_71 = arith.constant 0 : i32
    %dma_wait3A_72 = tpu.memref_slice %arg9[%dma_wait3A_70, %dma_wait3A_71] : memref<4x512xf32, #tpu.memory_space<vmem>> -> memref<1x512xf32, #tpu.memory_space<vmem>>
    tpu.wait_dma2 semaphore(%arg10 : memref<!tpu.dma_semaphore, #tpu.memory_space<semaphore_mem>>) src(%dma_wait3A_72 : memref<1x512xf32, #tpu.memory_space<vmem>>) dst(%dma_wait3A : memref<1x512xf32, #tpu.memory_space<any>>)
    %dma_wait3A_73 = tpu.memref_slice %arg8[%get3A_13, %mul3A_53] : memref<4096x2048xf32, #tpu.memory_space<any>> -> memref<1x512xf32, #tpu.memory_space<any>>
    %dma_wait3A_74 = arith.constant 1 : i32
    %dma_wait3A_75 = arith.constant 0 : i32
    %dma_wait3A_76 = tpu.memref_slice %arg9[%dma_wait3A_74, %dma_wait3A_75] : memref<4x512xf32, #tpu.memory_space<vmem>> -> memref<1x512xf32, #tpu.memory_space<vmem>>
    tpu.wait_dma2 semaphore(%arg10 : memref<!tpu.dma_semaphore, #tpu.memory_space<semaphore_mem>>) src(%dma_wait3A_76 : memref<1x512xf32, #tpu.memory_space<vmem>>) dst(%dma_wait3A_73 : memref<1x512xf32, #tpu.memory_space<any>>)
    %dma_wait3A_77 = tpu.memref_slice %arg8[%get3A_15, %mul3A_59] : memref<4096x2048xf32, #tpu.memory_space<any>> -> memref<1x512xf32, #tpu.memory_space<any>>
    %dma_wait3A_78 = arith.constant 2 : i32
    %dma_wait3A_79 = arith.constant 0 : i32
    %dma_wait3A_80 = tpu.memref_slice %arg9[%dma_wait3A_78, %dma_wait3A_79] : memref<4x512xf32, #tpu.memory_space<vmem>> -> memref<1x512xf32, #tpu.memory_space<vmem>>
    tpu.wait_dma2 semaphore(%arg10 : memref<!tpu.dma_semaphore, #tpu.memory_space<semaphore_mem>>) src(%dma_wait3A_80 : memref<1x512xf32, #tpu.memory_space<vmem>>) dst(%dma_wait3A_77 : memref<1x512xf32, #tpu.memory_space<any>>)
    %dma_wait3A_81 = tpu.memref_slice %arg8[%get3A_17, %mul3A_65] : memref<4096x2048xf32, #tpu.memory_space<any>> -> memref<1x512xf32, #tpu.memory_space<any>>
    %dma_wait3A_82 = arith.constant 3 : i32
    %dma_wait3A_83 = arith.constant 0 : i32
    %dma_wait3A_84 = tpu.memref_slice %arg9[%dma_wait3A_82, %dma_wait3A_83] : memref<4x512xf32, #tpu.memory_space<vmem>> -> memref<1x512xf32, #tpu.memory_space<vmem>>
    tpu.wait_dma2 semaphore(%arg10 : memref<!tpu.dma_semaphore, #tpu.memory_space<semaphore_mem>>) src(%dma_wait3A_84 : memref<1x512xf32, #tpu.memory_space<vmem>>) dst(%dma_wait3A_81 : memref<1x512xf32, #tpu.memory_space<any>>)
    return
  }
  func.func @transform_1(%arg0: i32, %arg1: memref<8xi32, #tpu.memory_space<smem>>) -> (i32, i32) {
    %c0_i32 = arith.constant 0 : i32
    %c0_i32_0 = arith.constant 0 : i32
    %c0_i32_1 = arith.constant 0 : i32
    return %c0_i32, %c0_i32_0 : i32, i32
  }
  func.func @transform_2(%arg0: i32, %arg1: memref<8xi32, #tpu.memory_space<smem>>) -> (i32, i32) {
    %c0_i32 = arith.constant 0 : i32
    %c0_i32_0 = arith.constant 0 : i32
    return %arg0, %c0_i32 : i32, i32
  }
  func.func @transform_3(%arg0: i32, %arg1: memref<8xi32, #tpu.memory_space<smem>>) -> (i32, i32) {
    %c0_i32 = arith.constant 0 : i32
    %c0_i32_0 = arith.constant 0 : i32
    return %c0_i32, %arg0 : i32, i32
  }
  func.func @transform_4(%arg0: i32, %arg1: memref<8xi32, #tpu.memory_space<smem>>) -> (i32, i32) {
    %c0_i32 = arith.constant 0 : i32
    %c0_i32_0 = arith.constant 0 : i32
    %c0_i32_1 = arith.constant 0 : i32
    return %c0_i32, %c0_i32_0 : i32, i32
  }
  func.func @transform_5(%arg0: i32, %arg1: memref<8xi32, #tpu.memory_space<smem>>) -> (i32, i32) {
    %c0_i32 = arith.constant 0 : i32
    %c0_i32_0 = arith.constant 0 : i32
    %c0_i32_1 = arith.constant 0 : i32
    return %c0_i32, %c0_i32_0 : i32, i32
  }
}

module attributes {stable_mosaic.version = 14 : i64} {
  func.func @_router_body(%arg0: i32, %arg1: memref<256x2048xf32, #tpu.memory_space<vmem>>, %arg2: memref<2048x8xf32, #tpu.memory_space<vmem>>, %arg3: memref<2048x8xf32, #tpu.memory_space<vmem>>, %arg4: memref<1x8xf32, #tpu.memory_space<vmem>>, %arg5: memref<1x8xf32, #tpu.memory_space<vmem>>, %arg6: memref<256x2048xf32, #tpu.memory_space<vmem>>, %arg7: memref<256x8xf32, #tpu.memory_space<vmem>>, %arg8: memref<256x8xf32, #tpu.memory_space<vmem>>) attributes {dimension_semantics = [#tpu.dimension_semantics<arbitrary>], iteration_bounds = array<i64: 16>, scalar_prefetch = 0 : i64, scratch_operands = 0 : i64, tpu.core_type = #tpu.core_type<tc>, window_params = [{transform_indices = @transform_0, window_bounds = array<i64: 256, 2048>}, {pipeline_mode = #tpu.pipeline_mode<synchronous>, transform_indices = @transform_1, window_bounds = array<i64: 2048, 8>}, {pipeline_mode = #tpu.pipeline_mode<synchronous>, transform_indices = @transform_2, window_bounds = array<i64: 2048, 8>}, {pipeline_mode = #tpu.pipeline_mode<synchronous>, transform_indices = @transform_3, window_bounds = array<i64: 1, 8>}, {pipeline_mode = #tpu.pipeline_mode<synchronous>, transform_indices = @transform_4, window_bounds = array<i64: 1, 8>}, {transform_indices = @transform_5, window_bounds = array<i64: 256, 2048>}, {transform_indices = @transform_6, window_bounds = array<i64: 256, 8>}, {transform_indices = @transform_7, window_bounds = array<i64: 256, 8>}]} {
    %broadcast_in_dim3A = arith.constant 0.000000e+00 : f32
    %broadcast_in_dim3A_0 = vector.broadcast %broadcast_in_dim3A : f32 to vector<256x2048xf32>
    %swap3A = arith.constant 0 : index
    %swap3A_1 = arith.constant 0 : index
    %swap3A_2 = vector.load %arg6[%swap3A, %swap3A_1] : memref<256x2048xf32, #tpu.memory_space<vmem>>, vector<256x2048xf32>
    tpu.vector_store %arg6[%swap3A, %swap3A_1], %broadcast_in_dim3A_0 {strides = array<i32>} : memref<256x2048xf32, #tpu.memory_space<vmem>>, vector<256x2048xf32>,
    %get3A = arith.constant 0 : index
    %get3A_3 = arith.constant 0 : index
    %get3A_4 = vector.load %arg1[%get3A, %get3A_3] : memref<256x2048xf32, #tpu.memory_space<vmem>>, vector<256x2048xf32>
    %get3A_5 = arith.constant 0 : index
    %get3A_6 = arith.constant 0 : index
    %get3A_7 = vector.load %arg2[%get3A_5, %get3A_6] : memref<2048x8xf32, #tpu.memory_space<vmem>>, vector<2048x8xf32>
    %dot_general3A = arith.constant dense<0.000000e+00> : vector<256x8xf32>
    %dot_general3A_8 = tpu.matmul %get3A_4, %get3A_7, %dot_general3A {dimension_numbers = #tpu.dot_dimension_numbers<[1], [0], [0], [1], [0, 0, 1, 1], [], []>, transpose_lhs_hint = false} : vector<256x2048xf32>, vector<2048x8xf32>, vector<256x8xf32> -> vector<256x8xf32>
    %get3A_9 = arith.constant 0 : index
    %get3A_10 = arith.constant 0 : index
    %get3A_11 = vector.load %arg4[%get3A_9, %get3A_10] : memref<1x8xf32, #tpu.memory_space<vmem>>, vector<1x8xf32>
    %add3A = vector.broadcast %get3A_11 : vector<1x8xf32> to vector<256x8xf32>
    %add3A_12 = arith.addf %dot_general3A_8, %add3A : vector<256x8xf32>
    %get3A_13 = arith.constant 0 : index
    %get3A_14 = arith.constant 0 : index
    %get3A_15 = vector.load %arg1[%get3A_13, %get3A_14] : memref<256x2048xf32, #tpu.memory_space<vmem>>, vector<256x2048xf32>
    %get3A_16 = arith.constant 0 : index
    %get3A_17 = arith.constant 0 : index
    %get3A_18 = vector.load %arg3[%get3A_16, %get3A_17] : memref<2048x8xf32, #tpu.memory_space<vmem>>, vector<2048x8xf32>
    %dot_general3A_19 = arith.constant dense<0.000000e+00> : vector<256x8xf32>
    %dot_general3A_20 = tpu.matmul %get3A_15, %get3A_18, %dot_general3A_19 {dimension_numbers = #tpu.dot_dimension_numbers<[1], [0], [0], [1], [0, 0, 1, 1], [], []>, transpose_lhs_hint = false} : vector<256x2048xf32>, vector<2048x8xf32>, vector<256x8xf32> -> vector<256x8xf32>
    %get3A_21 = arith.constant 0 : index
    %get3A_22 = arith.constant 0 : index
    %get3A_23 = vector.load %arg5[%get3A_21, %get3A_22] : memref<1x8xf32, #tpu.memory_space<vmem>>, vector<1x8xf32>
    %add3A_24 = vector.broadcast %get3A_23 : vector<1x8xf32> to vector<256x8xf32>
    %add3A_25 = arith.addf %dot_general3A_20, %add3A_24 : vector<256x8xf32>
    %max3A = arith.maximumf %add3A_12, %add3A_25 : vector<256x8xf32>
    %sub3A = arith.subf %add3A_12, %max3A : vector<256x8xf32>
    %exp3A = math.exp %sub3A : vector<256x8xf32>
    %sub3A_26 = arith.subf %add3A_25, %max3A : vector<256x8xf32>
    %exp3A_27 = math.exp %sub3A_26 : vector<256x8xf32>
    %add3A_28 = arith.addf %exp3A, %exp3A_27 : vector<256x8xf32>
    %div3A = arith.divf %exp3A, %add3A_28 : vector<256x8xf32>
    %swap3A_29 = arith.constant 0 : index
    %swap3A_30 = arith.constant 0 : index
    %swap3A_31 = vector.load %arg7[%swap3A_29, %swap3A_30] : memref<256x8xf32, #tpu.memory_space<vmem>>, vector<256x8xf32>
    tpu.vector_store %arg7[%swap3A_29, %swap3A_30], %div3A {strides = array<i32>} : memref<256x8xf32, #tpu.memory_space<vmem>>, vector<256x8xf32>,
    %div3A_32 = arith.divf %exp3A_27, %add3A_28 : vector<256x8xf32>
    %swap3A_33 = arith.constant 0 : index
    %swap3A_34 = arith.constant 0 : index
    %swap3A_35 = vector.load %arg8[%swap3A_33, %swap3A_34] : memref<256x8xf32, #tpu.memory_space<vmem>>, vector<256x8xf32>
    tpu.vector_store %arg8[%swap3A_33, %swap3A_34], %div3A_32 {strides = array<i32>} : memref<256x8xf32, #tpu.memory_space<vmem>>, vector<256x8xf32>,
    return
  }
  func.func @transform_0(%arg0: i32) -> (i32, i32) {
    %c0_i32 = arith.constant 0 : i32
    %c0_i32_0 = arith.constant 0 : i32
    return %arg0, %c0_i32 : i32, i32
  }
  func.func @transform_1(%arg0: i32) -> (i32, i32) {
    %c0_i32 = arith.constant 0 : i32
    %c0_i32_0 = arith.constant 0 : i32
    %c0_i32_1 = arith.constant 0 : i32
    return %c0_i32, %c0_i32_0 : i32, i32
  }
  func.func @transform_2(%arg0: i32) -> (i32, i32) {
    %c0_i32 = arith.constant 0 : i32
    %c0_i32_0 = arith.constant 0 : i32
    %c0_i32_1 = arith.constant 0 : i32
    return %c0_i32, %c0_i32_0 : i32, i32
  }
  func.func @transform_3(%arg0: i32) -> (i32, i32) {
    %c0_i32 = arith.constant 0 : i32
    %c0_i32_0 = arith.constant 0 : i32
    %c0_i32_1 = arith.constant 0 : i32
    return %c0_i32, %c0_i32_0 : i32, i32
  }
  func.func @transform_4(%arg0: i32) -> (i32, i32) {
    %c0_i32 = arith.constant 0 : i32
    %c0_i32_0 = arith.constant 0 : i32
    %c0_i32_1 = arith.constant 0 : i32
    return %c0_i32, %c0_i32_0 : i32, i32
  }
  func.func @transform_5(%arg0: i32) -> (i32, i32) {
    %c0_i32 = arith.constant 0 : i32
    %c0_i32_0 = arith.constant 0 : i32
    return %arg0, %c0_i32 : i32, i32
  }
  func.func @transform_6(%arg0: i32) -> (i32, i32) {
    %c0_i32 = arith.constant 0 : i32
    %c0_i32_0 = arith.constant 0 : i32
    return %arg0, %c0_i32 : i32, i32
  }
  func.func @transform_7(%arg0: i32) -> (i32, i32) {
    %c0_i32 = arith.constant 0 : i32
    %c0_i32_0 = arith.constant 0 : i32
    return %arg0, %c0_i32 : i32, i32
  }
}

</mosaic_0001>

<sc_bundles>
// kernel: kernel.6.cloned.1.call-start
scs
__scs_entry_jumppad:
0x0: {  	(pc) =	sbr.rel $0x88, $3  }
0x1: {  	(tag) =	ssettag $0x0;
	lr =	simm.s32 $0x1  }
0x2: {  	[smem:$0x3F9C] =	sst lr;
	_ =	strace $0xD0000000  }
0x3: {  	_ = 	snop  }
0x4: {  	_ = 	snop  }
0x5: {  	_ = 	snop  }
0x6: {  	_ = 	snop  }
0x7: {  	_ = 	snop  }
__scs_overlays_trampoline_lowered:
0x8: {  	[smem:$0x3FAB] =	sst s0  }
0x9: {  	[smem:$0x3FAC] =	sst s1  }
0xa: {  	[smem:$0x3FAD] =	sst s2  }
0xb: {  	[smem:$0x3FAE] =	sst s3  }
0xc: {  	[smem:$0x3FAF] =	sst s4  }
0xd: {  	[smem:$0x3FB0] =	sst s5  }
0xe: {  	[smem:$0x3FB1] =	sst s6  }
0xf: {  	[smem:$0x3FB2] =	sst s7  }
0x10: {  	[smem:$0x3FB3] =	sst s8  }
0x11: {  	[smem:$0x3FB4] =	sst s9;
	s0 =	simm.s32 @!p0 $0x0  }
0x12: {  	s1 =	sld [smem:$0x3F9A];
	s0 =	simm.s32 @p0 $0x1  }
0x13: {  	[smem:$0x3FB5] =	sst s0;
	s0 =	simm.s32 @!p1 $0x0  }
0x14: {  	s2 =	sld [smem:$0x3F99];
	s0 =	simm.s32 @p1 $0x1  }
0x15: {  	[smem:$0x3FB6] =	sst s0;
	s0 =	simm.s32 @!p2 $0x0  }
0x16: {  	s3 =	sld [smem:$0x3FDB];
	s0 =	simm.s32 @p2 $0x1  }
0x17: {  	s4 =	simm.s32 $0x1BF5;
	[smem:$0x3FB8] =	sst s0  }
0x18: {  	s0 =	sld [smem:$0x3F9B];
	_ =	swait.ge [sflag:s4], $0x0  }
0x19: {  	s7 =	sld [smem:$0x3F9C]  }
0x1a: {  	s8 =	sadd.s32 $0xFFFFE003, lr  }
0x1b: {  	s9 =	sadd.s32 $0xFFFFFEF7, lr;
	s5 =	simm.s32 $0xFFFFFFFF;
	p2 =	slt.u32 s8, $0xFFFFF086  }
0x1c: {  	p1 =	slt.u32 s9, $0xF7A;
	s5 =	simm.s32 @!p2 $0x0  }
0x1d: {  	s5 =	simm.s32 @p1 $0x1;
	p0 =	seq.s32 s7, s2  }
0x1e: {  	s7 =	smul.u32 @!p0 $0xF7A, s2;
	p2 =	seq.s32 @!p0 s5, $0x0  }
0x1f: {  	s9 =	smul.u32 $0xF7A, s1;
	s8 =	simm.s32 @!p0 $0x1BF5;
	p2 =	por !p2, p0  }
0x20: {  	[sflag:s8] =	ssyncset.s32 @!p0 $0xFFFFF086;
	s6 =	sadd.s32 @!p0 s3, s7;
	s7 =	simm.s32 @!p0 $0x108  }
0x21: {  	s3 =	sadd.s32 s3, s9;
	s6 =	sadd.s32 @!p0 $0x88, s6;
	s7 =	simm.s32 @p2 $0x1082  }
0x22: {  	[simem:s7], [sflag:s8] =	dma.local @!p0 [hbm:s6], $0xF7A  }
0x23: {  	s9 =	sor.u32 $0xD0000000, s2;
	s6 =	simm.s32 $0x108;
	_ =	swait.ge @!p0 [sflag:s8], $0x0  }
0x24: {  	s3 =	sadd.s32 $0x88, s3;
	s6 =	simm.s32 @!p1 $0x1082;
	[sflag:s4] =	ssyncset.s32 $0xFFFFF086  }
0x25: {  	[simem:s6], [sflag:s4] =	dma.local [hbm:s3], $0xF7A  }
0x26: {  	[smem:$0x3F9C] =	sst s1;
	(tag) =	ssettag s2;
	_ =	strace s9  }
0x27: {  	s1 =	sld [smem:$0x3FAC]  }
0x28: {  	s2 =	sld [smem:$0x3FAD]  }
0x29: {  	s4 =	sld [smem:$0x3FAF]  }
0x2a: {  	p0 =	seq.s32 s5, $0x0;
	s5 =	sld [smem:$0x3FB0]  }
0x2b: {  	s6 =	sld [smem:$0x3FB1]  }
0x2c: {  	s7 =	sld [smem:$0x3FB2]  }
0x2d: {  	s3 =	simm.s32 $0x108;
	s8 =	sld [smem:$0x3FB3]  }
0x2e: {  	s3 =	simm.s32 @!p0 $0x1082;
	s9 =	sld [smem:$0x3FB4]  }
0x2f: {  	lr =	sadd.s32 s0, s3;
	s0 =	sld [smem:$0x3FAB]  }
0x30: {  	s3 =	sld [smem:$0x3FAE]  }
0x31: {  	[smem:$0x3FB7] =	sst s10  }
0x32: {  	s10 =	sld [smem:$0x3FB5];
	_ =	sdelay $0x3  }
0x33: {  	p0 =	seq.s32 s10, $0x1;
	s10 =	sld [smem:$0x3FB7];
	_ =	sdelay $0x3  }
0x34: {  	[smem:$0x3FB7] =	sst s10  }
0x35: {  	s10 =	sld [smem:$0x3FB6];
	_ =	sdelay $0x3  }
0x36: {  	p1 =	seq.s32 s10, $0x1;
	s10 =	sld [smem:$0x3FB7];
	_ =	sdelay $0x3  }
0x37: {  	[smem:$0x3FB7] =	sst s10  }
0x38: {  	s10 =	sld [smem:$0x3FB8]  }
0x39: {  	_ = 	snop;
	(pc) =	sbr.ind lr, $3  }
0x3a: {  	_ = 	snop  }
0x3b: {  	_ = 	snop  }
0x3c: {  	p2 =	seq.s32 s10, $0x1;
	s10 =	sld [smem:$0x3FB7]  }
0x3d: {  	_ =	shalt  }
0x3e: {  	_ =	shalt  }
0x3f: {  	_ =	shalt  }
0x40: {  	_ =	shalt  }
0x41: {  	_ =	shalt  }
0x42: {  	_ =	shalt  }
0x43: {  	_ =	shalt  }
0x44: {  	_ =	shalt  }
0x45: {  	_ =	shalt  }
0x46: {  	_ =	shalt  }
0x47: {  	_ =	shalt  }
0x48: {  	_ =	shalt  }
0x49: {  	_ =	shalt  }
0x4a: {  	_ =	shalt  }
0x4b: {  	_ =	shalt  }
0x4c: {  	_ =	shalt  }
0x4d: {  	_ =	shalt  }
0x4e: {  	_ =	shalt  }
0x4f: {  	_ =	shalt  }
0x50: {  	_ =	shalt  }
0x51: {  	_ =	shalt  }
0x52: {  	_ =	shalt  }
0x53: {  	_ =	shalt  }
0x54: {  	_ =	shalt  }
0x55: {  	_ =	shalt  }
0x56: {  	_ =	shalt  }
0x57: {  	_ =	shalt  }
0x58: {  	_ =	shalt  }
0x59: {  	_ =	shalt  }
0x5a: {  	_ =	shalt  }
0x5b: {  	_ =	shalt  }
0x5c: {  	_ =	shalt  }
0x5d: {  	_ =	shalt  }
0x5e: {  	_ =	shalt  }
0x5f: {  	_ =	shalt  }
0x60: {  	_ =	shalt  }
0x61: {  	_ =	shalt  }
0x62: {  	_ =	shalt  }
0x63: {  	_ =	shalt  }
0x64: {  	_ =	shalt  }
0x65: {  	_ =	shalt  }
0x66: {  	_ =	shalt  }
0x67: {  	_ =	shalt  }
0x68: {  	_ =	shalt  }
0x69: {  	_ =	shalt  }
0x6a: {  	_ =	shalt  }
0x6b: {  	_ =	shalt  }
0x6c: {  	_ =	shalt  }
0x6d: {  	_ =	shalt  }
0x6e: {  	_ =	shalt  }
0x6f: {  	_ =	shalt  }
0x70: {  	_ =	shalt  }
0x71: {  	_ =	shalt  }
0x72: {  	_ =	shalt  }
0x73: {  	_ =	shalt  }
0x74: {  	_ =	shalt  }
0x75: {  	_ =	shalt  }
0x76: {  	_ =	shalt  }
0x77: {  	_ =	shalt  }
0x78: {  	_ =	shalt  }
0x79: {  	_ =	shalt  }
0x7a: {  	_ =	shalt  }
0x7b: {  	_ =	shalt  }
0x7c: {  	_ =	shalt  }
0x7d: {  	_ =	shalt  }
0x7e: {  	_ =	shalt  }
0x7f: {  	_ =	shalt  }
0x80: {  	_ =	shalt  }
0x81: {  	_ =	shalt  }
0x82: {  	_ =	shalt  }
0x83: {  	_ =	shalt  }
0x84: {  	_ =	shalt  }
0x85: {  	_ =	shalt  }
0x86: {  	_ =	shalt  }
0x87: {  	_ =	shalt  }
.Lfunc_end0:
.L_simem_size_0:
called_computation_lowered:
.L_overlay_start_0:
0x88: {  	s2 =	sld [smem:$0x3FD9]  }
0x89: {  	s3 =	sld [smem:$0x3FFE];
	_ =	sdelay $0x1  }
0x8a: {  	s1 =	srdreg.scid  }
0x8b: {  	s0 =	sand.u32 $0x1, s1  }
0x8c: {  	s17 =	sshll.u32 s0, $0xA;
	s2 =	sadd.s32 s3, s2  }
0x8d: {  	s2 =	sadd.s32 s2, s17  }
0x8e: {  	[smem:$0x3FC3] =	sst s2  }
0x8f: {  	_ = 	snop  }
0x90: {  	s2 =	sld [smem:$0x3FC9];
	(tm) =	ssettm $0x1  }
0x91: {  	s18 =	sld [smem:$0x3FFB];
	_ =	sdelay $0x3  }
0x92: {  	_ =	strace s18  }
0x93: {  	s3 =	sld [smem:$0x3FFC];
	_ =	sdelay $0x3  }
0x94: {  	_ =	strace s3  }
0x95: {  	s3 =	sld [smem:$0x3FFD];
	_ =	sdelay $0x3  }
0x96: {  	_ =	strace s3  }
0x97: {  	_ =	strace $0x8FFFFFFF  }
0x98: {  	s19 =	sld [smem:$0x3FDB];
	_ =	sdelay $0x1  }
0x99: {  	s4 =	simm.s32 $_scs_section_size  }
0x9a: {  	s5 =	simm.s32 $_size__tile_overlayer_lowered;
	s6 =	simm.s32 $_tile_overlayer_lowered  }
0x9b: {  	s22 =	simm.s32 $0x1BFF;
	s21 =	sshll.u32 s6, $0x1;
	s3 =	sadd.s32 s4, s19  }
0x9c: {  	s7 =	simm.s32 $0x0;
	s20 =	sshll.u32 s5, $0x1;
	s5 =	sadd.s32 s21, s3  }
0x9d: {  	[timem:s7], [sflag:s22] =	dma.local [hbm:s5], s20  }
0x9e: {  	_ =	swait.ge [sflag:s22], s20  }
0x9f: {  	s4 =	ssub.s32 $0x0, s20;
	[sflag:s22] =	ssyncset.done $0x0  }
0xa0: {  	[sflag:s22] =	ssyncadd.s32 s4;
	_ =	sdelay $0x1  }
0xa1: {  	s23 =	simm.s32 $0x1B8B  }
0xa2: {  	_ =	swait.ge [sflag:s23], $0x1  }
0xa3: {  	[sflag:s23] =	ssyncset.done $0x0  }
0xa4: {  	s25 =	simm.s32 $0x1B8E;
	s24 =	sld [smem:$0x3FFE];
	[sflag:s23] =	ssyncadd.s32 $0xFFFFFFFF  }
0xa5: {  	s26 =	simm.s32 $execute0_lowered;
	[smem:$0x3FD2] =	sst s25  }
0xa6: {  	s5 =	sshll.u32 s26, $0x1;
	_ =	strace $0x80000046;
	[dreg:$0x1] =	wrdreg $0xFFFFFFFF  }
0xa7: {  	s28 =	simm.s32 $_size_execute0_lowered;
	s3 =	sadd.s32 s3, s5;
	[dreg:$0x0] =	wrdreg $0x0  }
0xa8: {  	s5 =	sshll.u32 s28, $0x1;
	[dreg:$0x2] =	wrdreg s3  }
0xa9: {  	[dreg:$0x3] =	wrdreg s5  }
0xaa: {  	[dreg:$0x4] =	wrdreg $0xC0  }
0xab: {  	_ =	task [dreg:s7], $0x5FFFF  }
0xac: {  	[dreg:$0x1] =	wrdreg $0xFFFFFFFF  }
0xad: {  	[dreg:$0x0] =	wrdreg $0x60  }
0xae: {  	[dreg:$0x2] =	wrdreg s24  }
0xaf: {  	[dreg:$0x3] =	wrdreg s2  }
0xb0: {  	[dreg:$0x4] =	wrdreg $0x9  }
0xb1: {  	_ =	task.clear_ibuf [dreg:s7], $0x5FFFF;
	_ =	strace $0x90000046  }
0xb2: {  	s29 =	simm.s32 $0x9;
	_ =	strace $0x80000048  }
0xb3: {  	_ =	swait.ge [sflag:s29], $0x1  }
0xb4: {  	[sflag:s29] =	ssyncadd.s32 $0xFFFFFFFF  }
0xb5: {  	_ =	strace $0x90000048  }
0xb6: {  	_ =	sfence  }
0xb7: {  	s30 =	sld [smem:$0x0];
	_ =	sdelay $0x2  }
0xb8: {  	s31 =	sshll.u32 s1, $0xD;
	s1 =	sshrl.u32 s1, $0x2  }
0xb9: {  	s3 =	sand.u32 $0x4000, s31;
	s1 =	sadd.s32 s1, s30  }
0xba: {  	s0 =	sor.u32 s3, s0;
	s1 =	sshll.u32 s1, $0x11  }
0xbb: {  	s0 =	sor.u32 s1, s0  }
0xbc: {  	s0 =	sadd.s32 $0x8F2B, s0  }
0xbd: {  	[sflag:s0] =	ssyncadd.remote.s32 $0x1  }
0xbe: {  	_ =	sfence.sel $0xFFFF  }
0xbf: {  	[dreg:$0x0] =	wrdreg $0xFFFFFFFF;
	(pc) =	sbr.abs _section_cstart, $3  }
0xc0: {  	[dreg:$0x1] =	wrdreg $0xFFFFFFFF  }
0xc1: {  	_ =	task.clear_ibuf [dreg:s7], $0x2FFFF;
	_ =	strace $0x9FFFFFFF  }
0xc2: {  	(tm) =	ssettm $0x7FFFFFFF  }
0xc3: {  	_ =	shalt  }
tec
execute0_lowered:
.L_overlay_start_1:
0x0: {  	(tag) =	ssettag $0x1  }
0x1: {  	s0 =	srdreg.scid  }
0x2: {  	s20 =	sand.u32 $0x1, s0;
	s0 =	stileid.u32  }
0x3: {  	s3 =	sshll.u32 s0, $0x1;
	s4 =	ssub.s32 $0x0, s20  }
0x4: {  	p0 =	sne.s32 s3, s4  }
.Ltmp0:
0x5: {  	_ = 	snop;
	(pc) =	sbr.rel @p0 .LBB2_4-.Ltmp0, $4  }
0x6: {  	_ = 	snop  }
0x7: {  	s22 =	rddreg [dreg:$0x0]  }
0x8: {  	s2 =	rddreg [dreg:$0x1]  }
0x9: {  	s1 =	rddreg [dreg:$0x2];
	_ =	strace $0x80000047  }
0xa: {  	s3 =	sadd.s32 $0x2400, s22;
	s5 =	simm.s32 $0x0;
	s4 =	simm.s32 $0x2  }
0xb: {  	[tilespmem:s5], [sflag:$0x2] =	stream.linear.gather [hbm4b:s3+s5], $0x80, $0x38;
	[tilespmem:$0x4080] =	vst v63  }
0xc: {  	_ =	swait.ge [sflag:s4], $0x80  }
0xd: {  	[sflag:s4] =	ssyncset.done $0x0  }
0xe: {  	[sflag:s4] =	ssyncadd.s32 $0xFFFFFF80  }
0xf: {  	v0 =	vld.msk [tilespmem:$0x0], $0xff;
	_ =	sdelay $0x4  }
0x10: {  	v1 =	vshll.u32 v0, $0x4  }
0x11: {  	v2 =	vlaneseq.u32;
	v3 =	vand.u32 $0x7, v0;
	v1 =	vand.u32 $0xFFFFFF80, v1  }
0x12: {  	v0 =	vand.u32 $0x7, v2;
	v2 =	vshrl.u32 v2, $0x3;
	v3 =	vor.u32 v3, v1  }
0x13: {  	v1 =	vmul.u32 $0x8, v2;
	v2 =	vperm.xlane v3, v0;
	_ =	sdelay $0x1  }
0x14: {  	v2 =	vadd.s32 v1, v2;
	_ =	sdelay $0x3  }
0x15: {  	vm0 =	vmmov $0xffff;
	s6 =	simm.s32 $0x80  }
0x16: {  	[tilespmem:s6], [sflag:$0x1] =	stream.indirect_vreg.gather [hbm4b:s2+s5], $0x80, v2, vm0, $0xb8;
	[tilespmem:$0x4080] =	vst v63  }
0x17: {  	s7 =	sadd.s32 $0x100, s2;
	s8 =	simm.s32 $0x880  }
0x18: {  	[tilespmem:s8], [sflag:$0x1] =	stream.indirect_vreg.gather [hbm4b:s7+s5], $0x80, v2, vm0, $0xb8;
	[tilespmem:$0x4080] =	vst v63  }
0x19: {  	s9 =	sadd.s32 $0x200, s2;
	s10 =	simm.s32 $0x1080  }
0x1a: {  	[tilespmem:s10], [sflag:$0x1] =	stream.indirect_vreg.gather [hbm4b:s9+s5], $0x80, v2, vm0, $0xb8;
	[tilespmem:$0x4080] =	vst v63  }
0x1b: {  	s11 =	sadd.s32 $0x300, s2;
	s12 =	simm.s32 $0x1880;
	s13 =	sadd.s32 $0x400, s2  }
0x1c: {  	[tilespmem:s12], [sflag:$0x1] =	stream.indirect_vreg.gather [hbm4b:s11+s5], $0x80, v2, vm0, $0xb8;
	[tilespmem:$0x4080] =	vst v63  }
0x1d: {  	s14 =	simm.s32 $0x2080;
	s15 =	sadd.s32 $0x500, s2;
	s23 =	ssub.s32 $0x2, s20  }
0x1e: {  	[tilespmem:s14], [sflag:$0x1] =	stream.indirect_vreg.gather [hbm4b:s13+s5], $0x80, v2, vm0, $0xb8;
	[tilespmem:$0x4080] =	vst v63  }
0x1f: {  	s16 =	simm.s32 $0x2880;
	s17 =	sadd.s32 $0x600, s2;
	s24 =	sshrl.u32 s23, $0x1  }
0x20: {  	[tilespmem:s16], [sflag:$0x1] =	stream.indirect_vreg.gather [hbm4b:s15+s5], $0x80, v2, vm0, $0xb8;
	[tilespmem:$0x4080] =	vst v63  }
0x21: {  	s18 =	sadd.s32 $0x700, s2;
	s19 =	simm.s32 $0x3080;
	s23 =	ssub.s32 s23, s24  }
0x22: {  	[tilespmem:s19], [sflag:$0x1] =	stream.indirect_vreg.gather [hbm4b:s17+s5], $0x80, v2, vm0, $0xb8;
	[tilespmem:$0x4080] =	vst v63  }
0x23: {  	s20 =	simm.s32 $0x3880;
	s21 =	simm.s32 $0x1;
	s23 =	smax.u32 s23, $0x1  }
0x24: {  	[tilespmem:s20], [sflag:$0x1] =	stream.indirect_vreg.gather [hbm4b:s18+s5], $0x80, v2, vm0, $0xb8;
	[tilespmem:$0x4080] =	vst v63  }
0x25: {  	p0 =	sne.s32 s23, $0x1;
	_ =	swait.ge [sflag:s21], $0x4000  }
.Ltmp1:
0x26: {  	[sflag:s21] =	ssyncset.done $0x0;
	(pc) =	sbr.rel @!p0 .LBB2_3-.Ltmp1, $4  }
0x27: {  	s22 =	sadd.s32 $0x2600, s22;
	[sflag:s21] =	ssyncadd.s32 $0xFFFFC000  }
0x28: {  	[hbm4b:s22+s5] =	stream.linear.scatter [tilespmem:s6], [sflag:$0x2], $0x4000, $0x38;
	[tilespmem:$0x4080] =	vst v63  }
0x29: {  	_ =	swait.ge [sflag:s4], $0x4000  }
0x2a: {  	s23 =	sadd.s32 $0xFFFFFFFF, s23;
	[sflag:s4] =	ssyncset.done $0x0  }
.LBB2_2:
0x2b: {  	p0 =	sne.s32 s23, $0x1;
	s23 =	sadd.s32 $0xFFFFFFFF, s23;
	[sflag:s4] =	ssyncadd.s32 $0xFFFFC000  }
0x2c: {  	[tilespmem:s5], [sflag:$0x2] =	stream.linear.gather [hbm4b:s3+s5], $0x80, $0x38;
	[tilespmem:$0x4080] =	vst v63  }
0x2d: {  	_ =	swait.ge [sflag:s4], $0x80  }
0x2e: {  	[sflag:s4] =	ssyncset.done $0x0  }
0x2f: {  	[sflag:s4] =	ssyncadd.s32 $0xFFFFFF80  }
0x30: {  	v2 =	vld.msk [tilespmem:$0x0], $0xff;
	_ =	sdelay $0x4  }
0x31: {  	v3 =	vshll.u32 v2, $0x4  }
0x32: {  	v2 =	vand.u32 $0x7, v2;
	v3 =	vand.u32 $0xFFFFFF80, v3  }
0x33: {  	v2 =	vor.u32 v2, v3  }
0x34: {  	v2 =	vperm.xlane v2, v0;
	_ =	sdelay $0x1  }
0x35: {  	v2 =	vadd.s32 v1, v2;
	_ =	sdelay $0x4  }
0x36: {  	[tilespmem:s6], [sflag:$0x1] =	stream.indirect_vreg.gather [hbm4b:s2+s5], $0x80, v2, vm0, $0xb8;
	[tilespmem:$0x4080] =	vst v63  }
0x37: {  	_ = 	snop  }
0x38: {  	[tilespmem:s8], [sflag:$0x1] =	stream.indirect_vreg.gather [hbm4b:s7+s5], $0x80, v2, vm0, $0xb8;
	[tilespmem:$0x4080] =	vst v63  }
0x39: {  	_ = 	snop  }
0x3a: {  	[tilespmem:s10], [sflag:$0x1] =	stream.indirect_vreg.gather [hbm4b:s9+s5], $0x80, v2, vm0, $0xb8;
	[tilespmem:$0x4080] =	vst v63  }
0x3b: {  	_ = 	snop  }
0x3c: {  	[tilespmem:s12], [sflag:$0x1] =	stream.indirect_vreg.gather [hbm4b:s11+s5], $0x80, v2, vm0, $0xb8;
	[tilespmem:$0x4080] =	vst v63  }
0x3d: {  	_ = 	snop  }
0x3e: {  	[tilespmem:s14], [sflag:$0x1] =	stream.indirect_vreg.gather [hbm4b:s13+s5], $0x80, v2, vm0, $0xb8;
	[tilespmem:$0x4080] =	vst v63  }
0x3f: {  	_ = 	snop  }
0x40: {  	[tilespmem:s16], [sflag:$0x1] =	stream.indirect_vreg.gather [hbm4b:s15+s5], $0x80, v2, vm0, $0xb8;
	[tilespmem:$0x4080] =	vst v63  }
0x41: {  	_ = 	snop  }
0x42: {  	[tilespmem:s19], [sflag:$0x1] =	stream.indirect_vreg.gather [hbm4b:s17+s5], $0x80, v2, vm0, $0xb8;
	[tilespmem:$0x4080] =	vst v63  }
0x43: {  	_ = 	snop  }
0x44: {  	[tilespmem:s20], [sflag:$0x1] =	stream.indirect_vreg.gather [hbm4b:s18+s5], $0x80, v2, vm0, $0xb8;
	[tilespmem:$0x4080] =	vst v63  }
0x45: {  	_ =	swait.ge [sflag:s21], $0x4000  }
.Ltmp2:
0x46: {  	[sflag:s21] =	ssyncset.done $0x0;
	(pc) =	sbr.rel @p0 .LBB2_2-.Ltmp2, $4  }
0x47: {  	[sflag:s21] =	ssyncadd.s32 $0xFFFFC000  }
0x48: {  	[hbm4b:s22+s5] =	stream.linear.scatter [tilespmem:s6], [sflag:$0x2], $0x4000, $0x38;
	[tilespmem:$0x4080] =	vst v63  }
0x49: {  	_ =	swait.ge [sflag:s4], $0x4000  }
0x4a: {  	[sflag:s4] =	ssyncset.done $0x0  }
.LBB2_3:
0x4b: {  	[sflag:s4] =	ssyncadd.s32 $0xFFFFC000  }
.LBB2_4:
0x4c: {  	_ =	sfence.sel $0x180000  }
0x4d: {  	[bflag:$0x0] =	sbarrier.arrive $0xFFFF  }
0x4e: {  	p0 =	sne.s32 s0, $0x0;
	_ =	strace $0x90000047  }
0x4f: {  	s0 =	sadd.s32 @!p0 $0x100000, s1;
	[bflag:$0x2] =	sbarrier.arrive $0xFFFF  }
0x50: {  	[sflag:s0] =	ssyncadd.tile.s32 @!p0 $0x1;
	_ =	shalt  }
.Lfunc_end2:
_tile_overlayer_lowered:
.L_overlay_start_2:
0x51: {  	(tag) =	ssettag $0x2  }
0x52: {  	s0 =	rddreg [dreg:$0x0];
	s2 =	stileid.u32  }
0x53: {  	s1 =	rddreg [dreg:$0x1];
	p0 =	sne.s32 s2, $0x0  }
0x54: {  	s3 =	rddreg [dreg:$0x2];
	[bflag:$0x3] =	sbarrier.arrive $0xFFFF;
	s2 =	simm.s32 @!p0 $0x1C02  }
0x55: {  	[timem:s3], [sflag:s2] =	dma.local @!p0 [hbm:s0], s1  }
0x56: {  	s0 =	simm.s32 @!p0 $0x2  }
0x57: {  	_ =	swait.ge @!p0 [sflag:s0], s1  }
0x58: {  	s1 =	ssub.s32 @!p0 $0x0, s1;
	[sflag:s0] =	ssyncset.done @!p0 $0x0  }
0x59: {  	[sflag:s0] =	ssyncadd.s32 @!p0 s1  }
0x5a: {  	[bflag:$0x3] =	sbarrier.arrive $0xFFFF  }
0x5b: {  	_ =	shalt  }

</sc_bundles>
